<compile_context>
chip_gen: v7x
topology: tpu7x:2x2x1
jax: 0.10.2.dev20260603
libtpu: 0.0.44.dev20260713+nightly
codegen_flags: <defaults>
</compile_context>

<pallas_src>
import functools

import jax
import jax.numpy as jnp
from jax import lax
from jax.experimental import pallas as pl
from jax.experimental.pallas import tpu as pltpu
from jax.experimental.pallas import tpu_sc as plsc

_INFO = plsc.get_sparse_core_info()
NCC, NS, L = _INFO.num_cores, _INFO.num_subcores, _INFO.num_lanes
NW = NCC * NS

ROWS, COLS = 16384, 2048
RPW = ROWS // NW
CH = 16
NCH = RPW // CH


def _sc_body(x_hbm, mn_hbm, mx_hbm, buf, sems):
    wid = lax.axis_index("s") * NCC + lax.axis_index("c")
    base = wid * RPW

    def chunk_copy(ci, b):
        return pltpu.make_async_copy(
            x_hbm.at[pl.ds(base + ci * CH, CH), :], buf.at[b], sems.at[b]
        )

    chunk_copy(0, 0).start()

    def outer(ci, carry):
        vmn, vmx = carry
        b = ci % 2
        chunk_copy(ci, b).wait()

        @pl.when(ci + 1 < NCH)
        def _():
            chunk_copy(ci + 1, (ci + 1) % 2).start()

        def row_loop(r, c2):
            def col_loop(k, c3):
                m, M = c3
                v = buf[b, r, pl.ds(k * L, L)]
                return jnp.minimum(m, v), jnp.maximum(M, v)

            return lax.fori_loop(0, COLS // L, col_loop, c2, unroll=8)

        vmn, vmx = lax.fori_loop(0, CH, row_loop, (vmn, vmx))
        return vmn, vmx

    init = (
        jnp.full((L,), jnp.inf, jnp.float32),
        jnp.full((L,), -jnp.inf, jnp.float32),
    )
    vmn, vmx = lax.fori_loop(0, NCH, outer, init)
    buf[0, 0, pl.ds(0, L)] = vmn
    buf[0, 0, pl.ds(L, L)] = vmx
    pltpu.sync_copy(buf.at[0, 0, pl.ds(0, L)], mn_hbm.at[wid])
    pltpu.sync_copy(buf.at[0, 0, pl.ds(L, L)], mx_hbm.at[wid])


@jax.jit
def kernel(x):
    mesh = plsc.VectorSubcoreMesh(core_axis_name="c", subcore_axis_name="s")
    sc = functools.partial(
        pl.kernel,
        mesh=mesh,
        out_type=[
            jax.ShapeDtypeStruct((NW, L), jnp.float32),
            jax.ShapeDtypeStruct((NW, L), jnp.float32),
        ],
        scratch_types=[
            pltpu.VMEM((2, CH, COLS), jnp.float32),
            pltpu.SemaphoreType.DMA((2,)),
        ],
    )(_sc_body)
    mn, mx = sc(x)
    return jnp.min(mn), jnp.max(mx)

# --- scband reference (transcript-rebuilt; emitter-appended) ---
"""Pipeline reference for scband-uniform-affine-quantizer-40664750358876 (READ-ONLY COPY).

The authoritative reference and input builder live on the scoring server;
editing this copy changes nothing except your own understanding.
"""

import jax, jax.numpy as jnp
import numpy as np

N_BITS = 8
CLIPMIN = 1e-05


def setup_inputs(seed: int = 0) -> dict:
    key = jax.random.key(seed)
    x = jax.random.normal(key, (16384, 2048), dtype=jnp.float32)
    return {"x": x}


def _round_ste(v):
    # straight-through estimator for rounding
    return v + jax.lax.stop_gradient(jnp.round(v) - v)


def _fake_quant(x):
    qmax = 2 ** N_BITS - 1
    # observer-style min/max statistics are collected under no_grad in the
    # original code, so detach them from the autodiff graph
    xmin = jax.lax.stop_gradient(jnp.minimum(jnp.min(x), 0.0))
    xmax = jax.lax.stop_gradient(jnp.maximum(jnp.max(x), 0.0))
    scale = jnp.clip((xmax - xmin) / qmax, CLIPMIN, None)
    zero_point = jnp.clip(jnp.round(-xmin / scale), 0.0, float(qmax))
    x_int = _round_ste(x / scale) + zero_point
    x_quant = jnp.clip(x_int, 0.0, float(qmax))
    x_dequant = (x_quant - zero_point) * scale
    return x_dequant


def reference(x):
    return _fake_quant(x)

if __name__ == "__main__":
    import jax
    _d = setup_inputs()
    print(jax.jit(kernel)(*tuple(_d.values())))

</pallas_src>

<mosaic_0001>
#map = affine_map<(d0, d1) -> (0, 0)>
module attributes {stable_mosaic.version = 14 : i64} {
  func.func @_sc_body(%arg0: i32, %arg1: i32, %arg2: memref<16384x2048xf32, #tpu.memory_space<hbm>>, %arg3: memref<32x16xf32, #tpu.memory_space<hbm>>, %arg4: memref<32x16xf32, #tpu.memory_space<hbm>>, %arg5: memref<2x16x2048xf32, #tpu.memory_space<vmem>>, %arg6: memref<2x!tpu.dma_semaphore, #tpu.memory_space<semaphore_mem>>) attributes {dimension_semantics = [#tpu.dimension_semantics<core_parallel>, #tpu.dimension_semantics<subcore_parallel>], iteration_bounds = array<i64: 2, 16>, scalar_prefetch = 0 : i64, scratch_operands = 2 : i64, tpu.core_type = #tpu.core_type<sc_vector_subcore>, window_params = [{transform_indices = #map}, {transform_indices = #map}, {transform_indices = #map}]} {
    %mul3A = arith.constant 2 : i32
    %mul3A_0 = arith.muli %arg1, %mul3A : i32
    %add3A = arith.addi %mul3A_0, %arg0 : i32
    %mul3A_1 = arith.constant 512 : i32
    %mul3A_2 = arith.muli %add3A, %mul3A_1 : i32
    %add3A_3 = arith.constant 0 : i32
    %add3A_4 = arith.addi %mul3A_2, %add3A_3 : i32
    %dma_start3A = arith.constant 0 : i32
    %dma_start3A_5 = arith.constant 0 : i32
    %dma_start3A_6 = arith.constant 0 : i32
    %dma_start3A_7 = arith.constant 0 : i32
    %dma_start3A_8 = tpu.memref_slice %arg5[%dma_start3A, %dma_start3A_6, %dma_start3A_7] : memref<2x16x2048xf32, #tpu.memory_space<vmem>> -> memref<1x16x2048xf32, #tpu.memory_space<vmem>>
    %dma_start3A_9 = tpu.memref_squeeze %dma_start3A_8 : memref<1x16x2048xf32, #tpu.memory_space<vmem>> -> memref<16x2048xf32, #tpu.memory_space<vmem>>
    %dma_start3A_10 = arith.constant 0 : i32
    %dma_start3A_11 = tpu.memref_slice %arg2[%add3A_4, %dma_start3A_10] : memref<16384x2048xf32, #tpu.memory_space<hbm>> -> memref<16x2048xf32, #tpu.memory_space<hbm>>
    %dma_start3A_12 = tpu.memref_slice %arg6[%dma_start3A_5] : memref<2x!tpu.dma_semaphore, #tpu.memory_space<semaphore_mem>> -> memref<1x!tpu.dma_semaphore, #tpu.memory_space<semaphore_mem>>
    %dma_start3A_13 = tpu.memref_squeeze %dma_start3A_12 : memref<1x!tpu.dma_semaphore, #tpu.memory_space<semaphore_mem>> -> memref<!tpu.dma_semaphore, #tpu.memory_space<semaphore_mem>>
    %dma_start3A_14 = arith.constant 0 : i32
    %dma_start3A_15 = arith.constant 0 : i32
    %dma_start3A_16 = tpu.memref_slice %arg5[%dma_start3A, %dma_start3A_14, %dma_start3A_15] : memref<2x16x2048xf32, #tpu.memory_space<vmem>> -> memref<1x16x2048xf32, #tpu.memory_space<vmem>>
    %dma_start3A_17 = tpu.memref_squeeze %dma_start3A_16 : memref<1x16x2048xf32, #tpu.memory_space<vmem>> -> memref<16x2048xf32, #tpu.memory_space<vmem>>
    %dma_start3A_18 = arith.constant 0 : i32
    %dma_start3A_19 = tpu.memref_slice %arg2[%add3A_4, %dma_start3A_18] : memref<16384x2048xf32, #tpu.memory_space<hbm>> -> memref<16x2048xf32, #tpu.memory_space<hbm>>
    tpu.enqueue_dma source(%dma_start3A_19 : memref<16x2048xf32, #tpu.memory_space<hbm>>) target(%dma_start3A_17 : memref<16x2048xf32, #tpu.memory_space<vmem>>) target_semaphore(%dma_start3A_13 : memref<!tpu.dma_semaphore, #tpu.memory_space<semaphore_mem>>)
    %broadcast_in_dim3A = arith.constant 0x7F800000 : f32
    %broadcast_in_dim3A_20 = vector.broadcast %broadcast_in_dim3A : f32 to vector<16xf32>
    %broadcast_in_dim3A_21 = arith.constant 0xFF800000 : f32
    %broadcast_in_dim3A_22 = vector.broadcast %broadcast_in_dim3A_21 : f32 to vector<16xf32>
    %scan3A = arith.constant 0 : i32
    %scan3A_23 = arith.constant 32 : i32
    %scan3A_24 = arith.addi %scan3A, %scan3A_23 : i32
    %scan3A_25 = arith.constant 1 : i32
    %scan3A_26:2 = scf.for %scan3A_46 = %scan3A to %scan3A_24 step %scan3A_25 iter_args(%scan3A_47 = %broadcast_in_dim3A_20, %scan3A_48 = %broadcast_in_dim3A_22) -> (vector<16xf32>, vector<16xf32>)  : i32 {
      %jit3A = arith.constant 2 : i32
      %eq3A = arith.constant 0 : i32
      %eq3A_49 = arith.cmpi eq, %jit3A, %eq3A : i32
      %jit3A_50 = arith.constant 1 : i32
      %select_n3A = arith.select %eq3A_49, %jit3A_50, %jit3A : i32
      %rem3A = arith.remsi %scan3A_46, %select_n3A : i32
      %ne3A = arith.constant 0 : i32
      %ne3A_51 = arith.cmpi ne, %rem3A, %ne3A : i32
      %lt3A = arith.constant 0 : i32
      %lt3A_52 = arith.cmpi slt, %rem3A, %lt3A : i32
      %lt3A_53 = arith.constant 0 : i32
      %lt3A_54 = arith.cmpi slt, %select_n3A, %lt3A_53 : i32
      %ne3A_55 = arith.xori %lt3A_52, %lt3A_54 : i1
      %and3A = arith.andi %ne3A_55, %ne3A_51 : i1
      %add3A_56 = arith.addi %rem3A, %select_n3A : i32
      %select_n3A_57 = arith.select %and3A, %add3A_56, %rem3A : i32
      %mul3A_58 = arith.constant 16 : i32
      %mul3A_59 = arith.muli %scan3A_46, %mul3A_58 : i32
      %add3A_60 = arith.addi %mul3A_2, %mul3A_59 : i32
      %dma_wait3A = arith.constant 0 : i32
      %dma_wait3A_61 = arith.constant 0 : i32
      %dma_wait3A_62 = tpu.memref_slice %arg5[%select_n3A_57, %dma_wait3A, %dma_wait3A_61] : memref<2x16x2048xf32, #tpu.memory_space<vmem>> -> memref<1x16x2048xf32, #tpu.memory_space<vmem>>
      %dma_wait3A_63 = tpu.memref_squeeze %dma_wait3A_62 : memref<1x16x2048xf32, #tpu.memory_space<vmem>> -> memref<16x2048xf32, #tpu.memory_space<vmem>>
      %dma_wait3A_64 = arith.constant 0 : i32
      %dma_wait3A_65 = tpu.memref_slice %arg2[%add3A_60, %dma_wait3A_64] : memref<16384x2048xf32, #tpu.memory_space<hbm>> -> memref<16x2048xf32, #tpu.memory_space<hbm>>
      %dma_wait3A_66 = tpu.memref_slice %arg6[%select_n3A_57] : memref<2x!tpu.dma_semaphore, #tpu.memory_space<semaphore_mem>> -> memref<1x!tpu.dma_semaphore, #tpu.memory_space<semaphore_mem>>
      %dma_wait3A_67 = tpu.memref_squeeze %dma_wait3A_66 : memref<1x!tpu.dma_semaphore, #tpu.memory_space<semaphore_mem>> -> memref<!tpu.dma_semaphore, #tpu.memory_space<semaphore_mem>>
      %dma_wait3A_68 = arith.constant 0 : i32
      %dma_wait3A_69 = arith.constant 0 : i32
      %dma_wait3A_70 = tpu.memref_slice %arg5[%select_n3A_57, %dma_wait3A_68, %dma_wait3A_69] : memref<2x16x2048xf32, #tpu.memory_space<vmem>> -> memref<1x16x2048xf32, #tpu.memory_space<vmem>>
      %dma_wait3A_71 = tpu.memref_squeeze %dma_wait3A_70 : memref<1x16x2048xf32, #tpu.memory_space<vmem>> -> memref<16x2048xf32, #tpu.memory_space<vmem>>
      %dma_wait3A_72 = arith.constant 0 : i32
      %dma_wait3A_73 = tpu.memref_slice %arg2[%add3A_60, %dma_wait3A_72] : memref<16384x2048xf32, #tpu.memory_space<hbm>> -> memref<16x2048xf32, #tpu.memory_space<hbm>>
      tpu.wait_dma2 semaphore(%dma_wait3A_67 : memref<!tpu.dma_semaphore, #tpu.memory_space<semaphore_mem>>) src(%dma_wait3A_73 : memref<16x2048xf32, #tpu.memory_space<hbm>>) dst(%dma_wait3A_71 : memref<16x2048xf32, #tpu.memory_space<vmem>>)
      %add3A_74 = arith.constant 1 : i32
      %add3A_75 = arith.addi %scan3A_46, %add3A_74 : i32
      %lt3A_76 = arith.constant 32 : i32
      %lt3A_77 = arith.cmpi slt, %add3A_75, %lt3A_76 : i32
      %convert_element_type3A = arith.extui %lt3A_77 : i1 to i32
      %cond3A = arith.constant 0 : i32
      %cond3A_78 = arith.cmpi ne, %convert_element_type3A, %cond3A : i32
      scf.if %cond3A_78 {
        %add3A_85 = arith.constant 1 : i32
        %add3A_86 = arith.addi %scan3A_46, %add3A_85 : i32
        %add3A_87 = arith.constant 1 : i32
        %add3A_88 = arith.addi %scan3A_46, %add3A_87 : i32
        %jit3A_89 = arith.constant 2 : i32
        %eq3A_90 = arith.constant 0 : i32
        %eq3A_91 = arith.cmpi eq, %jit3A_89, %eq3A_90 : i32
        %jit3A_92 = arith.constant 1 : i32
        %select_n3A_93 = arith.select %eq3A_91, %jit3A_92, %jit3A_89 : i32
        %rem3A_94 = arith.remsi %add3A_88, %select_n3A_93 : i32
        %ne3A_95 = arith.constant 0 : i32
        %ne3A_96 = arith.cmpi ne, %rem3A_94, %ne3A_95 : i32
        %lt3A_97 = arith.constant 0 : i32
        %lt3A_98 = arith.cmpi slt, %rem3A_94, %lt3A_97 : i32
        %lt3A_99 = arith.constant 0 : i32
        %lt3A_100 = arith.cmpi slt, %select_n3A_93, %lt3A_99 : i32
        %ne3A_101 = arith.xori %lt3A_98, %lt3A_100 : i1
        %and3A_102 = arith.andi %ne3A_101, %ne3A_96 : i1
        %add3A_103 = arith.addi %rem3A_94, %select_n3A_93 : i32
        %select_n3A_104 = arith.select %and3A_102, %add3A_103, %rem3A_94 : i32
        %mul3A_105 = arith.constant 16 : i32
        %mul3A_106 = arith.muli %add3A_86, %mul3A_105 : i32
        %add3A_107 = arith.addi %mul3A_2, %mul3A_106 : i32
        %dma_start3A_108 = arith.constant 0 : i32
        %dma_start3A_109 = arith.constant 0 : i32
        %dma_start3A_110 = tpu.memref_slice %arg5[%select_n3A_104, %dma_start3A_108, %dma_start3A_109] : memref<2x16x2048xf32, #tpu.memory_space<vmem>> -> memref<1x16x2048xf32, #tpu.memory_space<vmem>>
        %dma_start3A_111 = tpu.memref_squeeze %dma_start3A_110 : memref<1x16x2048xf32, #tpu.memory_space<vmem>> -> memref<16x2048xf32, #tpu.memory_space<vmem>>
        %dma_start3A_112 = arith.constant 0 : i32
        %dma_start3A_113 = tpu.memref_slice %arg2[%add3A_107, %dma_start3A_112] : memref<16384x2048xf32, #tpu.memory_space<hbm>> -> memref<16x2048xf32, #tpu.memory_space<hbm>>
        %dma_start3A_114 = tpu.memref_slice %arg6[%select_n3A_104] : memref<2x!tpu.dma_semaphore, #tpu.memory_space<semaphore_mem>> -> memref<1x!tpu.dma_semaphore, #tpu.memory_space<semaphore_mem>>
        %dma_start3A_115 = tpu.memref_squeeze %dma_start3A_114 : memref<1x!tpu.dma_semaphore, #tpu.memory_space<semaphore_mem>> -> memref<!tpu.dma_semaphore, #tpu.memory_space<semaphore_mem>>
        %dma_start3A_116 = arith.constant 0 : i32
        %dma_start3A_117 = arith.constant 0 : i32
        %dma_start3A_118 = tpu.memref_slice %arg5[%select_n3A_104, %dma_start3A_116, %dma_start3A_117] : memref<2x16x2048xf32, #tpu.memory_space<vmem>> -> memref<1x16x2048xf32, #tpu.memory_space<vmem>>
        %dma_start3A_119 = tpu.memref_squeeze %dma_start3A_118 : memref<1x16x2048xf32, #tpu.memory_space<vmem>> -> memref<16x2048xf32, #tpu.memory_space<vmem>>
        %dma_start3A_120 = arith.constant 0 : i32
        %dma_start3A_121 = tpu.memref_slice %arg2[%add3A_107, %dma_start3A_120] : memref<16384x2048xf32, #tpu.memory_space<hbm>> -> memref<16x2048xf32, #tpu.memory_space<hbm>>
        tpu.enqueue_dma source(%dma_start3A_121 : memref<16x2048xf32, #tpu.memory_space<hbm>>) target(%dma_start3A_119 : memref<16x2048xf32, #tpu.memory_space<vmem>>) target_semaphore(%dma_start3A_115 : memref<!tpu.dma_semaphore, #tpu.memory_space<semaphore_mem>>)
      } else {
      }
      %scan3A_79 = arith.constant 0 : i32
      %scan3A_80 = arith.constant 16 : i32
      %scan3A_81 = arith.addi %scan3A_79, %scan3A_80 : i32
      %scan3A_82 = arith.constant 1 : i32
      %scan3A_83:2 = scf.for %scan3A_85 = %scan3A_79 to %scan3A_81 step %scan3A_82 iter_args(%scan3A_86 = %scan3A_47, %scan3A_87 = %scan3A_48) -> (vector<16xf32>, vector<16xf32>)  : i32 {
        %scan3A_88 = arith.constant 0 : i32
        %scan3A_89 = arith.constant 128 : i32
        %scan3A_90 = arith.addi %scan3A_88, %scan3A_89 : i32
        %scan3A_91 = arith.constant 8 : i32
        %scan3A_92:2 = scf.for %scan3A_94 = %scan3A_88 to %scan3A_90 step %scan3A_91 iter_args(%scan3A_95 = %scan3A_86, %scan3A_96 = %scan3A_87) -> (vector<16xf32>, vector<16xf32>)  : i32 {
          %mul3A_97 = arith.constant 16 : i32
          %mul3A_98 = arith.muli %scan3A_94, %mul3A_97 : i32
          %get3A = arith.index_cast %select_n3A_57 : i32 to index
          %get3A_99 = arith.index_cast %scan3A_85 : i32 to index
          %get3A_100 = arith.index_cast %mul3A_98 : i32 to index
          %get3A_101 = tpu.vector_load %arg5[%get3A, %get3A_99, %get3A_100] {strides = array<i32>} : memref<2x16x2048xf32, #tpu.memory_space<vmem>>, vector<1x1x16xf32>,
          %get3A_102 = vector.shape_cast %get3A_101 : vector<1x1x16xf32> to vector<16xf32>
          %min3A = arith.minimumf %scan3A_95, %get3A_102 : vector<16xf32>
          %max3A = arith.maximumf %scan3A_96, %get3A_102 : vector<16xf32>
          %scan3A_103 = arith.constant 1 : i32
          %scan3A_104 = arith.addi %scan3A_94, %scan3A_103 : i32
          %mul3A_105 = arith.constant 16 : i32
          %mul3A_106 = arith.muli %scan3A_104, %mul3A_105 : i32
          %get3A_107 = arith.index_cast %select_n3A_57 : i32 to index
          %get3A_108 = arith.index_cast %scan3A_85 : i32 to index
          %get3A_109 = arith.index_cast %mul3A_106 : i32 to index
          %get3A_110 = tpu.vector_load %arg5[%get3A_107, %get3A_108, %get3A_109] {strides = array<i32>} : memref<2x16x2048xf32, #tpu.memory_space<vmem>>, vector<1x1x16xf32>,
          %get3A_111 = vector.shape_cast %get3A_110 : vector<1x1x16xf32> to vector<16xf32>
          %min3A_112 = arith.minimumf %min3A, %get3A_111 : vector<16xf32>
          %max3A_113 = arith.maximumf %max3A, %get3A_111 : vector<16xf32>
          %scan3A_114 = arith.constant 2 : i32
          %scan3A_115 = arith.addi %scan3A_94, %scan3A_114 : i32
          %mul3A_116 = arith.constant 16 : i32
          %mul3A_117 = arith.muli %scan3A_115, %mul3A_116 : i32
          %get3A_118 = arith.index_cast %select_n3A_57 : i32 to index
          %get3A_119 = arith.index_cast %scan3A_85 : i32 to index
          %get3A_120 = arith.index_cast %mul3A_117 : i32 to index
          %get3A_121 = tpu.vector_load %arg5[%get3A_118, %get3A_119, %get3A_120] {strides = array<i32>} : memref<2x16x2048xf32, #tpu.memory_space<vmem>>, vector<1x1x16xf32>,
          %get3A_122 = vector.shape_cast %get3A_121 : vector<1x1x16xf32> to vector<16xf32>
          %min3A_123 = arith.minimumf %min3A_112, %get3A_122 : vector<16xf32>
          %max3A_124 = arith.maximumf %max3A_113, %get3A_122 : vector<16xf32>
          %scan3A_125 = arith.constant 3 : i32
          %scan3A_126 = arith.addi %scan3A_94, %scan3A_125 : i32
          %mul3A_127 = arith.constant 16 : i32
          %mul3A_128 = arith.muli %scan3A_126, %mul3A_127 : i32
          %get3A_129 = arith.index_cast %select_n3A_57 : i32 to index
          %get3A_130 = arith.index_cast %scan3A_85 : i32 to index
          %get3A_131 = arith.index_cast %mul3A_128 : i32 to index
          %get3A_132 = tpu.vector_load %arg5[%get3A_129, %get3A_130, %get3A_131] {strides = array<i32>} : memref<2x16x2048xf32, #tpu.memory_space<vmem>>, vector<1x1x16xf32>,
          %get3A_133 = vector.shape_cast %get3A_132 : vector<1x1x16xf32> to vector<16xf32>
          %min3A_134 = arith.minimumf %min3A_123, %get3A_133 : vector<16xf32>
          %max3A_135 = arith.maximumf %max3A_124, %get3A_133 : vector<16xf32>
          %scan3A_136 = arith.constant 4 : i32
          %scan3A_137 = arith.addi %scan3A_94, %scan3A_136 : i32
          %mul3A_138 = arith.constant 16 : i32
          %mul3A_139 = arith.muli %scan3A_137, %mul3A_138 : i32
          %get3A_140 = arith.index_cast %select_n3A_57 : i32 to index
          %get3A_141 = arith.index_cast %scan3A_85 : i32 to index
          %get3A_142 = arith.index_cast %mul3A_139 : i32 to index
          %get3A_143 = tpu.vector_load %arg5[%get3A_140, %get3A_141, %get3A_142] {strides = array<i32>} : memref<2x16x2048xf32, #tpu.memory_space<vmem>>, vector<1x1x16xf32>,
          %get3A_144 = vector.shape_cast %get3A_143 : vector<1x1x16xf32> to vector<16xf32>
          %min3A_145 = arith.minimumf %min3A_134, %get3A_144 : vector<16xf32>
          %max3A_146 = arith.maximumf %max3A_135, %get3A_144 : vector<16xf32>
          %scan3A_147 = arith.constant 5 : i32
          %scan3A_148 = arith.addi %scan3A_94, %scan3A_147 : i32
          %mul3A_149 = arith.constant 16 : i32
          %mul3A_150 = arith.muli %scan3A_148, %mul3A_149 : i32
          %get3A_151 = arith.index_cast %select_n3A_57 : i32 to index
          %get3A_152 = arith.index_cast %scan3A_85 : i32 to index
          %get3A_153 = arith.index_cast %mul3A_150 : i32 to index
          %get3A_154 = tpu.vector_load %arg5[%get3A_151, %get3A_152, %get3A_153] {strides = array<i32>} : memref<2x16x2048xf32, #tpu.memory_space<vmem>>, vector<1x1x16xf32>,
          %get3A_155 = vector.shape_cast %get3A_154 : vector<1x1x16xf32> to vector<16xf32>
          %min3A_156 = arith.minimumf %min3A_145, %get3A_155 : vector<16xf32>
          %max3A_157 = arith.maximumf %max3A_146, %get3A_155 : vector<16xf32>
          %scan3A_158 = arith.constant 6 : i32
          %scan3A_159 = arith.addi %scan3A_94, %scan3A_158 : i32
          %mul3A_160 = arith.constant 16 : i32
          %mul3A_161 = arith.muli %scan3A_159, %mul3A_160 : i32
          %get3A_162 = arith.index_cast %select_n3A_57 : i32 to index
          %get3A_163 = arith.index_cast %scan3A_85 : i32 to index
          %get3A_164 = arith.index_cast %mul3A_161 : i32 to index
          %get3A_165 = tpu.vector_load %arg5[%get3A_162, %get3A_163, %get3A_164] {strides = array<i32>} : memref<2x16x2048xf32, #tpu.memory_space<vmem>>, vector<1x1x16xf32>,
          %get3A_166 = vector.shape_cast %get3A_165 : vector<1x1x16xf32> to vector<16xf32>
          %min3A_167 = arith.minimumf %min3A_156, %get3A_166 : vector<16xf32>
          %max3A_168 = arith.maximumf %max3A_157, %get3A_166 : vector<16xf32>
          %scan3A_169 = arith.constant 7 : i32
          %scan3A_170 = arith.addi %scan3A_94, %scan3A_169 : i32
          %mul3A_171 = arith.constant 16 : i32
          %mul3A_172 = arith.muli %scan3A_170, %mul3A_171 : i32
          %get3A_173 = arith.index_cast %select_n3A_57 : i32 to index
          %get3A_174 = arith.index_cast %scan3A_85 : i32 to index
          %get3A_175 = arith.index_cast %mul3A_172 : i32 to index
          %get3A_176 = tpu.vector_load %arg5[%get3A_173, %get3A_174, %get3A_175] {strides = array<i32>} : memref<2x16x2048xf32, #tpu.memory_space<vmem>>, vector<1x1x16xf32>,
          %get3A_177 = vector.shape_cast %get3A_176 : vector<1x1x16xf32> to vector<16xf32>
          %min3A_178 = arith.minimumf %min3A_167, %get3A_177 : vector<16xf32>
          %max3A_179 = arith.maximumf %max3A_168, %get3A_177 : vector<16xf32>
          scf.yield %min3A_178, %max3A_179 : vector<16xf32>, vector<16xf32>
        }
        %scan3A_93 = arith.constant 128 : i32
        scf.yield %scan3A_92#0, %scan3A_92#1 : vector<16xf32>, vector<16xf32>
      }
      %scan3A_84 = arith.constant 16 : i32
      scf.yield %scan3A_83#0, %scan3A_83#1 : vector<16xf32>, vector<16xf32>
    }
    %scan3A_27 = arith.constant 32 : i32
    %swap3A = arith.constant 0 : i32
    %swap3A_28 = arith.constant 0 : i32
    %swap3A_29 = arith.index_cast %swap3A : i32 to index
    %swap3A_30 = arith.index_cast %swap3A_28 : i32 to index
    %swap3A_31 = arith.constant 0 : index
    %swap3A_32 = tpu.vector_load %arg5[%swap3A_29, %swap3A_30, %swap3A_31] {strides = array<i32>} : memref<2x16x2048xf32, #tpu.memory_space<vmem>>, vector<1x1x16xf32>,
    %swap3A_33 = vector.shape_cast %swap3A_32 : vector<1x1x16xf32> to vector<16xf32>
    %swap3A_34 = vector.shape_cast %scan3A_26#0 : vector<16xf32> to vector<1x1x16xf32>
    tpu.vector_store %arg5[%swap3A_29, %swap3A_30, %swap3A_31], %swap3A_34 {strides = array<i32>} : memref<2x16x2048xf32, #tpu.memory_space<vmem>>, vector<1x1x16xf32>,
    %swap3A_35 = arith.constant 0 : i32
    %swap3A_36 = arith.constant 0 : i32
    %swap3A_37 = arith.index_cast %swap3A_35 : i32 to index
    %swap3A_38 = arith.index_cast %swap3A_36 : i32 to index
    %swap3A_39 = arith.constant 16 : index
    %swap3A_40 = tpu.vector_load %arg5[%swap3A_37, %swap3A_38, %swap3A_39] {strides = array<i32>} : memref<2x16x2048xf32, #tpu.memory_space<vmem>>, vector<1x1x16xf32>,
    %swap3A_41 = vector.shape_cast %swap3A_40 : vector<1x1x16xf32> to vector<16xf32>
    %swap3A_42 = vector.shape_cast %scan3A_26#1 : vector<16xf32> to vector<1x1x16xf32>
    tpu.vector_store %arg5[%swap3A_37, %swap3A_38, %swap3A_39], %swap3A_42 {strides = array<i32>} : memref<2x16x2048xf32, #tpu.memory_space<vmem>>, vector<1x1x16xf32>,
    %run_scoped3A = arith.constant 0 : i32
    %run_scoped3A_43 = arith.constant 0 : i32
    "tpu.region"() ({
      %run_scoped3A_46 = tpu.sem_alloc : memref<!tpu.dma_semaphore, #tpu.memory_space<semaphore_mem>>
      %dma_start3A_47 = arith.constant 0 : i32
      %dma_start3A_48 = tpu.memref_slice %arg5[%run_scoped3A, %run_scoped3A_43, %dma_start3A_47] : memref<2x16x2048xf32, #tpu.memory_space<vmem>> -> memref<1x1x16xf32, #tpu.memory_space<vmem>>
      %dma_start3A_49 = tpu.memref_squeeze %dma_start3A_48 : memref<1x1x16xf32, #tpu.memory_space<vmem>> -> memref<16xf32, #tpu.memory_space<vmem>>
      %dma_start3A_50 = arith.constant 0 : i32
      %dma_start3A_51 = tpu.memref_slice %arg3[%add3A, %dma_start3A_50] : memref<32x16xf32, #tpu.memory_space<hbm>> -> memref<1x16xf32, #tpu.memory_space<hbm>>
      %dma_start3A_52 = tpu.memref_squeeze %dma_start3A_51 : memref<1x16xf32, #tpu.memory_space<hbm>> -> memref<16xf32, #tpu.memory_space<hbm>>
      %dma_start3A_53 = arith.constant 0 : i32
      %dma_start3A_54 = tpu.memref_slice %arg3[%add3A, %dma_start3A_53] : memref<32x16xf32, #tpu.memory_space<hbm>> -> memref<1x16xf32, #tpu.memory_space<hbm>>
      %dma_start3A_55 = tpu.memref_squeeze %dma_start3A_54 : memref<1x16xf32, #tpu.memory_space<hbm>> -> memref<16xf32, #tpu.memory_space<hbm>>
      %dma_start3A_56 = arith.constant 0 : i32
      %dma_start3A_57 = tpu.memref_slice %arg5[%run_scoped3A, %run_scoped3A_43, %dma_start3A_56] : memref<2x16x2048xf32, #tpu.memory_space<vmem>> -> memref<1x1x16xf32, #tpu.memory_space<vmem>>
      %dma_start3A_58 = tpu.memref_squeeze %dma_start3A_57 : memref<1x1x16xf32, #tpu.memory_space<vmem>> -> memref<16xf32, #tpu.memory_space<vmem>>
      tpu.enqueue_dma source(%dma_start3A_58 : memref<16xf32, #tpu.memory_space<vmem>>) target(%dma_start3A_55 : memref<16xf32, #tpu.memory_space<hbm>>) target_semaphore(%run_scoped3A_46 : memref<!tpu.dma_semaphore, #tpu.memory_space<semaphore_mem>>)
      %dma_wait3A = arith.constant 0 : i32
      %dma_wait3A_59 = tpu.memref_slice %arg5[%run_scoped3A, %run_scoped3A_43, %dma_wait3A] : memref<2x16x2048xf32, #tpu.memory_space<vmem>> -> memref<1x1x16xf32, #tpu.memory_space<vmem>>
      %dma_wait3A_60 = tpu.memref_squeeze %dma_wait3A_59 : memref<1x1x16xf32, #tpu.memory_space<vmem>> -> memref<16xf32, #tpu.memory_space<vmem>>
      %dma_wait3A_61 = arith.constant 0 : i32
      %dma_wait3A_62 = tpu.memref_slice %arg3[%add3A, %dma_wait3A_61] : memref<32x16xf32, #tpu.memory_space<hbm>> -> memref<1x16xf32, #tpu.memory_space<hbm>>
      %dma_wait3A_63 = tpu.memref_squeeze %dma_wait3A_62 : memref<1x16xf32, #tpu.memory_space<hbm>> -> memref<16xf32, #tpu.memory_space<hbm>>
      %dma_wait3A_64 = arith.constant 0 : i32
      %dma_wait3A_65 = tpu.memref_slice %arg3[%add3A, %dma_wait3A_64] : memref<32x16xf32, #tpu.memory_space<hbm>> -> memref<1x16xf32, #tpu.memory_space<hbm>>
      %dma_wait3A_66 = tpu.memref_squeeze %dma_wait3A_65 : memref<1x16xf32, #tpu.memory_space<hbm>> -> memref<16xf32, #tpu.memory_space<hbm>>
      %dma_wait3A_67 = arith.constant 0 : i32
      %dma_wait3A_68 = tpu.memref_slice %arg5[%run_scoped3A, %run_scoped3A_43, %dma_wait3A_67] : memref<2x16x2048xf32, #tpu.memory_space<vmem>> -> memref<1x1x16xf32, #tpu.memory_space<vmem>>
      %dma_wait3A_69 = tpu.memref_squeeze %dma_wait3A_68 : memref<1x1x16xf32, #tpu.memory_space<vmem>> -> memref<16xf32, #tpu.memory_space<vmem>>
      tpu.wait_dma2 semaphore(%run_scoped3A_46 : memref<!tpu.dma_semaphore, #tpu.memory_space<semaphore_mem>>) src(%dma_wait3A_69 : memref<16xf32, #tpu.memory_space<vmem>>) dst(%dma_wait3A_66 : memref<16xf32, #tpu.memory_space<hbm>>)
      tpu.yield
    }) : () -> ()
    %run_scoped3A_44 = arith.constant 0 : i32
    %run_scoped3A_45 = arith.constant 0 : i32
    "tpu.region"() ({
      %run_scoped3A_46 = tpu.sem_alloc : memref<!tpu.dma_semaphore, #tpu.memory_space<semaphore_mem>>
      %dma_start3A_47 = arith.constant 16 : i32
      %dma_start3A_48 = tpu.memref_slice %arg5[%run_scoped3A_44, %run_scoped3A_45, %dma_start3A_47] : memref<2x16x2048xf32, #tpu.memory_space<vmem>> -> memref<1x1x16xf32, #tpu.memory_space<vmem>>
      %dma_start3A_49 = tpu.memref_squeeze %dma_start3A_48 : memref<1x1x16xf32, #tpu.memory_space<vmem>> -> memref<16xf32, #tpu.memory_space<vmem>>
      %dma_start3A_50 = arith.constant 0 : i32
      %dma_start3A_51 = tpu.memref_slice %arg4[%add3A, %dma_start3A_50] : memref<32x16xf32, #tpu.memory_space<hbm>> -> memref<1x16xf32, #tpu.memory_space<hbm>>
      %dma_start3A_52 = tpu.memref_squeeze %dma_start3A_51 : memref<1x16xf32, #tpu.memory_space<hbm>> -> memref<16xf32, #tpu.memory_space<hbm>>
      %dma_start3A_53 = arith.constant 0 : i32
      %dma_start3A_54 = tpu.memref_slice %arg4[%add3A, %dma_start3A_53] : memref<32x16xf32, #tpu.memory_space<hbm>> -> memref<1x16xf32, #tpu.memory_space<hbm>>
      %dma_start3A_55 = tpu.memref_squeeze %dma_start3A_54 : memref<1x16xf32, #tpu.memory_space<hbm>> -> memref<16xf32, #tpu.memory_space<hbm>>
      %dma_start3A_56 = arith.constant 16 : i32
      %dma_start3A_57 = tpu.memref_slice %arg5[%run_scoped3A_44, %run_scoped3A_45, %dma_start3A_56] : memref<2x16x2048xf32, #tpu.memory_space<vmem>> -> memref<1x1x16xf32, #tpu.memory_space<vmem>>
      %dma_start3A_58 = tpu.memref_squeeze %dma_start3A_57 : memref<1x1x16xf32, #tpu.memory_space<vmem>> -> memref<16xf32, #tpu.memory_space<vmem>>
      tpu.enqueue_dma source(%dma_start3A_58 : memref<16xf32, #tpu.memory_space<vmem>>) target(%dma_start3A_55 : memref<16xf32, #tpu.memory_space<hbm>>) target_semaphore(%run_scoped3A_46 : memref<!tpu.dma_semaphore, #tpu.memory_space<semaphore_mem>>)
      %dma_wait3A = arith.constant 16 : i32
      %dma_wait3A_59 = tpu.memref_slice %arg5[%run_scoped3A_44, %run_scoped3A_45, %dma_wait3A] : memref<2x16x2048xf32, #tpu.memory_space<vmem>> -> memref<1x1x16xf32, #tpu.memory_space<vmem>>
      %dma_wait3A_60 = tpu.memref_squeeze %dma_wait3A_59 : memref<1x1x16xf32, #tpu.memory_space<vmem>> -> memref<16xf32, #tpu.memory_space<vmem>>
      %dma_wait3A_61 = arith.constant 0 : i32
      %dma_wait3A_62 = tpu.memref_slice %arg4[%add3A, %dma_wait3A_61] : memref<32x16xf32, #tpu.memory_space<hbm>> -> memref<1x16xf32, #tpu.memory_space<hbm>>
      %dma_wait3A_63 = tpu.memref_squeeze %dma_wait3A_62 : memref<1x16xf32, #tpu.memory_space<hbm>> -> memref<16xf32, #tpu.memory_space<hbm>>
      %dma_wait3A_64 = arith.constant 0 : i32
      %dma_wait3A_65 = tpu.memref_slice %arg4[%add3A, %dma_wait3A_64] : memref<32x16xf32, #tpu.memory_space<hbm>> -> memref<1x16xf32, #tpu.memory_space<hbm>>
      %dma_wait3A_66 = tpu.memref_squeeze %dma_wait3A_65 : memref<1x16xf32, #tpu.memory_space<hbm>> -> memref<16xf32, #tpu.memory_space<hbm>>
      %dma_wait3A_67 = arith.constant 16 : i32
      %dma_wait3A_68 = tpu.memref_slice %arg5[%run_scoped3A_44, %run_scoped3A_45, %dma_wait3A_67] : memref<2x16x2048xf32, #tpu.memory_space<vmem>> -> memref<1x1x16xf32, #tpu.memory_space<vmem>>
      %dma_wait3A_69 = tpu.memref_squeeze %dma_wait3A_68 : memref<1x1x16xf32, #tpu.memory_space<vmem>> -> memref<16xf32, #tpu.memory_space<vmem>>
      tpu.wait_dma2 semaphore(%run_scoped3A_46 : memref<!tpu.dma_semaphore, #tpu.memory_space<semaphore_mem>>) src(%dma_wait3A_69 : memref<16xf32, #tpu.memory_space<vmem>>) dst(%dma_wait3A_66 : memref<16xf32, #tpu.memory_space<hbm>>)
      tpu.yield
    }) : () -> ()
    return
  }
}

</mosaic_0001>

<sc_bundles>
// kernel: kernel.3.cloned.1.call-start
scs
__scs_entry_jumppad:
0x0: {  	(pc) =	sbr.rel $0x88, $3  }
0x1: {  	(tag) =	ssettag $0x0;
	lr =	simm.s32 $0x1  }
0x2: {  	[smem:$0x3FA0] =	sst lr;
	_ =	strace $0xD0000000  }
0x3: {  	_ = 	snop  }
0x4: {  	_ = 	snop  }
0x5: {  	_ = 	snop  }
0x6: {  	_ = 	snop  }
0x7: {  	_ = 	snop  }
__scs_overlays_trampoline_lowered:
0x8: {  	[smem:$0x3FAF] =	sst s0  }
0x9: {  	[smem:$0x3FB0] =	sst s1  }
0xa: {  	[smem:$0x3FB1] =	sst s2  }
0xb: {  	[smem:$0x3FB2] =	sst s3  }
0xc: {  	[smem:$0x3FB3] =	sst s4  }
0xd: {  	[smem:$0x3FB4] =	sst s5  }
0xe: {  	[smem:$0x3FB5] =	sst s6  }
0xf: {  	[smem:$0x3FB6] =	sst s7  }
0x10: {  	[smem:$0x3FB7] =	sst s8  }
0x11: {  	[smem:$0x3FB8] =	sst s9;
	s0 =	simm.s32 @!p0 $0x0  }
0x12: {  	s1 =	sld [smem:$0x3F9E];
	s0 =	simm.s32 @p0 $0x1  }
0x13: {  	[smem:$0x3FB9] =	sst s0;
	s0 =	simm.s32 @!p1 $0x0  }
0x14: {  	s2 =	sld [smem:$0x3F9D];
	s0 =	simm.s32 @p1 $0x1  }
0x15: {  	[smem:$0x3FBA] =	sst s0;
	s0 =	simm.s32 @!p2 $0x0  }
0x16: {  	s3 =	sld [smem:$0x3FDB];
	s0 =	simm.s32 @p2 $0x1  }
0x17: {  	s4 =	simm.s32 $0x1BF5;
	[smem:$0x3FBC] =	sst s0  }
0x18: {  	s0 =	sld [smem:$0x3F9F];
	_ =	swait.ge [sflag:s4], $0x0  }
0x19: {  	s7 =	sld [smem:$0x3FA0]  }
0x1a: {  	s8 =	sadd.s32 $0xFFFFE003, lr  }
0x1b: {  	s9 =	sadd.s32 $0xFFFFFEF7, lr;
	s5 =	simm.s32 $0xFFFFFFFF;
	p2 =	slt.u32 s8, $0xFFFFF086  }
0x1c: {  	p1 =	slt.u32 s9, $0xF7A;
	s5 =	simm.s32 @!p2 $0x0  }
0x1d: {  	s5 =	simm.s32 @p1 $0x1;
	p0 =	seq.s32 s7, s2  }
0x1e: {  	s7 =	smul.u32 @!p0 $0xF7A, s2;
	p2 =	seq.s32 @!p0 s5, $0x0  }
0x1f: {  	s9 =	smul.u32 $0xF7A, s1;
	s8 =	simm.s32 @!p0 $0x1BF5;
	p2 =	por !p2, p0  }
0x20: {  	[sflag:s8] =	ssyncset.s32 @!p0 $0xFFFFF086;
	s6 =	sadd.s32 @!p0 s3, s7;
	s7 =	simm.s32 @!p0 $0x108  }
0x21: {  	s3 =	sadd.s32 s3, s9;
	s6 =	sadd.s32 @!p0 $0x88, s6;
	s7 =	simm.s32 @p2 $0x1082  }
0x22: {  	[simem:s7], [sflag:s8] =	dma.local @!p0 [hbm:s6], $0xF7A  }
0x23: {  	s9 =	sor.u32 $0xD0000000, s2;
	s6 =	simm.s32 $0x108;
	_ =	swait.ge @!p0 [sflag:s8], $0x0  }
0x24: {  	s3 =	sadd.s32 $0x88, s3;
	s6 =	simm.s32 @!p1 $0x1082;
	[sflag:s4] =	ssyncset.s32 $0xFFFFF086  }
0x25: {  	[simem:s6], [sflag:s4] =	dma.local [hbm:s3], $0xF7A  }
0x26: {  	[smem:$0x3FA0] =	sst s1;
	(tag) =	ssettag s2;
	_ =	strace s9  }
0x27: {  	s1 =	sld [smem:$0x3FB0]  }
0x28: {  	s2 =	sld [smem:$0x3FB1]  }
0x29: {  	s4 =	sld [smem:$0x3FB3]  }
0x2a: {  	p0 =	seq.s32 s5, $0x0;
	s5 =	sld [smem:$0x3FB4]  }
0x2b: {  	s6 =	sld [smem:$0x3FB5]  }
0x2c: {  	s7 =	sld [smem:$0x3FB6]  }
0x2d: {  	s3 =	simm.s32 $0x108;
	s8 =	sld [smem:$0x3FB7]  }
0x2e: {  	s3 =	simm.s32 @!p0 $0x1082;
	s9 =	sld [smem:$0x3FB8]  }
0x2f: {  	lr =	sadd.s32 s0, s3;
	s0 =	sld [smem:$0x3FAF]  }
0x30: {  	s3 =	sld [smem:$0x3FB2]  }
0x31: {  	[smem:$0x3FBB] =	sst s10  }
0x32: {  	s10 =	sld [smem:$0x3FB9];
	_ =	sdelay $0x3  }
0x33: {  	p0 =	seq.s32 s10, $0x1;
	s10 =	sld [smem:$0x3FBB];
	_ =	sdelay $0x3  }
0x34: {  	[smem:$0x3FBB] =	sst s10  }
0x35: {  	s10 =	sld [smem:$0x3FBA];
	_ =	sdelay $0x3  }
0x36: {  	p1 =	seq.s32 s10, $0x1;
	s10 =	sld [smem:$0x3FBB];
	_ =	sdelay $0x3  }
0x37: {  	[smem:$0x3FBB] =	sst s10  }
0x38: {  	s10 =	sld [smem:$0x3FBC]  }
0x39: {  	_ = 	snop;
	(pc) =	sbr.ind lr, $3  }
0x3a: {  	_ = 	snop  }
0x3b: {  	_ = 	snop  }
0x3c: {  	p2 =	seq.s32 s10, $0x1;
	s10 =	sld [smem:$0x3FBB]  }
0x3d: {  	_ =	shalt  }
0x3e: {  	_ =	shalt  }
0x3f: {  	_ =	shalt  }
0x40: {  	_ =	shalt  }
0x41: {  	_ =	shalt  }
0x42: {  	_ =	shalt  }
0x43: {  	_ =	shalt  }
0x44: {  	_ =	shalt  }
0x45: {  	_ =	shalt  }
0x46: {  	_ =	shalt  }
0x47: {  	_ =	shalt  }
0x48: {  	_ =	shalt  }
0x49: {  	_ =	shalt  }
0x4a: {  	_ =	shalt  }
0x4b: {  	_ =	shalt  }
0x4c: {  	_ =	shalt  }
0x4d: {  	_ =	shalt  }
0x4e: {  	_ =	shalt  }
0x4f: {  	_ =	shalt  }
0x50: {  	_ =	shalt  }
0x51: {  	_ =	shalt  }
0x52: {  	_ =	shalt  }
0x53: {  	_ =	shalt  }
0x54: {  	_ =	shalt  }
0x55: {  	_ =	shalt  }
0x56: {  	_ =	shalt  }
0x57: {  	_ =	shalt  }
0x58: {  	_ =	shalt  }
0x59: {  	_ =	shalt  }
0x5a: {  	_ =	shalt  }
0x5b: {  	_ =	shalt  }
0x5c: {  	_ =	shalt  }
0x5d: {  	_ =	shalt  }
0x5e: {  	_ =	shalt  }
0x5f: {  	_ =	shalt  }
0x60: {  	_ =	shalt  }
0x61: {  	_ =	shalt  }
0x62: {  	_ =	shalt  }
0x63: {  	_ =	shalt  }
0x64: {  	_ =	shalt  }
0x65: {  	_ =	shalt  }
0x66: {  	_ =	shalt  }
0x67: {  	_ =	shalt  }
0x68: {  	_ =	shalt  }
0x69: {  	_ =	shalt  }
0x6a: {  	_ =	shalt  }
0x6b: {  	_ =	shalt  }
0x6c: {  	_ =	shalt  }
0x6d: {  	_ =	shalt  }
0x6e: {  	_ =	shalt  }
0x6f: {  	_ =	shalt  }
0x70: {  	_ =	shalt  }
0x71: {  	_ =	shalt  }
0x72: {  	_ =	shalt  }
0x73: {  	_ =	shalt  }
0x74: {  	_ =	shalt  }
0x75: {  	_ =	shalt  }
0x76: {  	_ =	shalt  }
0x77: {  	_ =	shalt  }
0x78: {  	_ =	shalt  }
0x79: {  	_ =	shalt  }
0x7a: {  	_ =	shalt  }
0x7b: {  	_ =	shalt  }
0x7c: {  	_ =	shalt  }
0x7d: {  	_ =	shalt  }
0x7e: {  	_ =	shalt  }
0x7f: {  	_ =	shalt  }
0x80: {  	_ =	shalt  }
0x81: {  	_ =	shalt  }
0x82: {  	_ =	shalt  }
0x83: {  	_ =	shalt  }
0x84: {  	_ =	shalt  }
0x85: {  	_ =	shalt  }
0x86: {  	_ =	shalt  }
0x87: {  	_ =	shalt  }
.Lfunc_end0:
.L_simem_size_0:
called_computation_lowered:
.L_overlay_start_0:
0x88: {  	s2 =	sld [smem:$0x3FD9]  }
0x89: {  	s3 =	sld [smem:$0x3FFE];
	_ =	sdelay $0x1  }
0x8a: {  	s1 =	srdreg.scid  }
0x8b: {  	s0 =	sand.u32 $0x1, s1  }
0x8c: {  	s17 =	sshll.u32 s0, $0xA;
	s2 =	sadd.s32 s3, s2  }
0x8d: {  	s2 =	sadd.s32 s2, s17  }
0x8e: {  	[smem:$0x3FC7] =	sst s2  }
0x8f: {  	_ = 	snop  }
0x90: {  	s2 =	sld [smem:$0x3FC9];
	(tm) =	ssettm $0x1  }
0x91: {  	s18 =	sld [smem:$0x3FFB];
	_ =	sdelay $0x3  }
0x92: {  	_ =	strace s18  }
0x93: {  	s3 =	sld [smem:$0x3FFC];
	_ =	sdelay $0x3  }
0x94: {  	_ =	strace s3  }
0x95: {  	s3 =	sld [smem:$0x3FFD];
	_ =	sdelay $0x3  }
0x96: {  	_ =	strace s3  }
0x97: {  	_ =	strace $0x8FFFFFFF  }
0x98: {  	s19 =	sld [smem:$0x3FDB];
	_ =	sdelay $0x1  }
0x99: {  	s4 =	simm.s32 $_scs_section_size  }
0x9a: {  	s5 =	simm.s32 $_size__tile_overlayer_lowered;
	s6 =	simm.s32 $_tile_overlayer_lowered  }
0x9b: {  	s22 =	simm.s32 $0x1BFF;
	s21 =	sshll.u32 s6, $0x1;
	s3 =	sadd.s32 s4, s19  }
0x9c: {  	s7 =	simm.s32 $0x0;
	s20 =	sshll.u32 s5, $0x1;
	s5 =	sadd.s32 s21, s3  }
0x9d: {  	[timem:s7], [sflag:s22] =	dma.local [hbm:s5], s20  }
0x9e: {  	_ =	swait.ge [sflag:s22], s20  }
0x9f: {  	s4 =	ssub.s32 $0x0, s20;
	[sflag:s22] =	ssyncset.done $0x0  }
0xa0: {  	[sflag:s22] =	ssyncadd.s32 s4;
	_ =	sdelay $0x1  }
0xa1: {  	s23 =	simm.s32 $0x1B8B  }
0xa2: {  	_ =	swait.ge [sflag:s23], $0x1  }
0xa3: {  	[sflag:s23] =	ssyncset.done $0x0  }
0xa4: {  	s25 =	simm.s32 $0x1B8E;
	s24 =	sld [smem:$0x3FFE];
	[sflag:s23] =	ssyncadd.s32 $0xFFFFFFFF  }
0xa5: {  	s26 =	simm.s32 $execute0_lowered;
	[smem:$0x3FD2] =	sst s25  }
0xa6: {  	s5 =	sshll.u32 s26, $0x1;
	_ =	strace $0x80000046;
	[dreg:$0x1] =	wrdreg $0xFFFFFFFF  }
0xa7: {  	s28 =	simm.s32 $_size_execute0_lowered;
	s3 =	sadd.s32 s3, s5;
	[dreg:$0x0] =	wrdreg $0x0  }
0xa8: {  	s5 =	sshll.u32 s28, $0x1;
	[dreg:$0x2] =	wrdreg s3  }
0xa9: {  	[dreg:$0x3] =	wrdreg s5  }
0xaa: {  	[dreg:$0x4] =	wrdreg $0xC0  }
0xab: {  	_ =	task [dreg:s7], $0x5FFFF  }
0xac: {  	[dreg:$0x1] =	wrdreg $0xFFFFFFFF  }
0xad: {  	[dreg:$0x0] =	wrdreg $0x60  }
0xae: {  	[dreg:$0x2] =	wrdreg s2  }
0xaf: {  	[dreg:$0x3] =	wrdreg s24  }
0xb0: {  	[dreg:$0x4] =	wrdreg $0x9  }
0xb1: {  	_ =	task.clear_ibuf [dreg:s7], $0x5FFFF;
	_ =	strace $0x90000046  }
0xb2: {  	s29 =	simm.s32 $0x9;
	_ =	strace $0x80000048  }
0xb3: {  	_ =	swait.ge [sflag:s29], $0x1  }
0xb4: {  	[sflag:s29] =	ssyncadd.s32 $0xFFFFFFFF  }
0xb5: {  	_ =	strace $0x90000048  }
0xb6: {  	_ =	sfence  }
0xb7: {  	s30 =	sld [smem:$0x0];
	_ =	sdelay $0x2  }
0xb8: {  	s31 =	sshll.u32 s1, $0xD;
	s1 =	sshrl.u32 s1, $0x2  }
0xb9: {  	s3 =	sand.u32 $0x4000, s31;
	s1 =	sadd.s32 s1, s30  }
0xba: {  	s0 =	sor.u32 s3, s0;
	s1 =	sshll.u32 s1, $0x11  }
0xbb: {  	s0 =	sor.u32 s1, s0  }
0xbc: {  	s0 =	sadd.s32 $0x8F2B, s0  }
0xbd: {  	[sflag:s0] =	ssyncadd.remote.s32 $0x1  }
0xbe: {  	_ =	sfence.sel $0xFFFF  }
0xbf: {  	[dreg:$0x0] =	wrdreg $0xFFFFFFFF;
	(pc) =	sbr.abs _section_cstart, $3  }
0xc0: {  	[dreg:$0x1] =	wrdreg $0xFFFFFFFF  }
0xc1: {  	_ =	task.clear_ibuf [dreg:s7], $0x2FFFF;
	_ =	strace $0x9FFFFFFF  }
0xc2: {  	(tm) =	ssettm $0x7FFFFFFF  }
0xc3: {  	_ =	shalt  }
tec
execute0_lowered:
.L_overlay_start_1:
0x0: {  	(tag) =	ssettag $0x1  }
0x1: {  	s4 =	rddreg [dreg:$0x0]  }
0x2: {  	s3 =	rddreg [dreg:$0x1]  }
0x3: {  	s0 =	rddreg [dreg:$0x2];
	s5 =	srdreg.scid  }
0x4: {  	s1 =	stileid.u32;
	s2 =	simm.s32 $0x0;
	s9 =	simm.s32 $0x3  }
0x5: {  	s10 =	simm.s32 $0x10;
	s5 =	sand.u32 $0x1, s5;
	s6 =	sshll.u32 s1, $0x1  }
0x6: {  	s11 =	simm.s32 $0x0;
	[smem:$0x7FF] =	sst s2;
	s6 =	sor.u32 s5, s6  }
0x7: {  	_ =	strace $0x80000047;
	s5 =	ssub.s32 $0x2, s5;
	s7 =	sshll.u32 s6, $0x4  }
0x8: {  	s8 =	sshrl.u32 s5, $0x1;
	s6 =	sshll.u32 s6, $0x11;
	s3 =	sadd.s32 s3, s7  }
0x9: {  	s31 =	ssub.s32 s5, s8;
	s4 =	sadd.s32 s4, s6;
	s7 =	simm.s32 $0x80  }
0xa: {  	s8 =	simm.s32 $0x400;
	s5 =	sadd.s32 $0x200, s3;
	s6 =	smax.u32 s31, $0x1  }
.LBB2_1:
0xb: {  	[tilespmem:s2], [sflag:$0x1] =	stream.linear.gather [hbm4b:s4+s2], $0x8000, $0x38;
	[tilespmem:$0x10000] =	vst v63  }
0xc: {  	v1 =	vimm.f32 $+Inf;
	v0 =	vimm.f32 $-Inf;
	p0 =	por $0x0, $0x0;
	s12 =	simm.s32 $0x0  }
.LBB2_3:
0xd: {  	s14 =	simm.s32 $0x1  }
0xe: {  	s13 =	smov.u32 s12;
	s30 =	sand.u32 $0x1, s12;
	s14 =	simm.s32 @!p0 $0x0  }
0xf: {  	s15 =	sadd.s32 $0x1, s30;
	s12 =	sadd.s32 $0x1, s13;
	p1 =	seq.s32 s13, $0x1F  }
0x10: {  	_ =	swait.ge [sflag:s15], $0x8000;
	s31 =	sshll.u32 s14, $0x11;
	s14 =	sand.u32 @!p1 $0x1, s12  }
0x11: {  	s16 =	sshll.u32 @!p1 s12, $0xC;
	s17 =	simm.s32 @!p1 $0x0;
	[sflag:s15] =	ssyncset.done $0x0  }
0x12: {  	s16 =	sadd.s32 @!p1 s16, s4;
	s13 =	sshrl.u32 s31, $0x2;
	[sflag:s15] =	ssyncadd.s32 $0xFFFF8000  }
0x13: {  	s15 =	sshll.u32 @!p1 s14, $0xF;
	s14 =	sadd.s32 @!p1 $0x1, s14;
	s13 =	sadd.s32 $0x40, s13  }
0x14: {  	[tilespmem:s15], [sflag:s14] =	stream.linear.gather @!p1 [hbm4b:s16+s17], $0x8000, $0x38;
	[tilespmem:$0x10000] =	vst v63  }
0x15: {  	s14 =	simm.s32 $0x0;
	s15 =	simm.s32 $0x0;
	s16 =	simm.s32 $0x0  }
.LBB2_4:
0x16: {  	s17 =	sshll.u32 s15, $0x2;
	s18 =	sand.u32 $0x7, s14  }
0x17: {  	s17 =	sand.u32 $0xFFFF0000, s17;
	s18 =	sshll.u32 s18, $0x9  }
0x18: {  	s17 =	sor.u32 s18, s17  }
0x19: {  	s17 =	sshrl.u32 s17, $0x2  }
0x1a: {  	s31 =	sadd.s32 s17, s13  }
0x1b: {  	v4 =	vld [tilespmem:s31+$0xFFFFFFC0]  }
0x1c: {  	v5 =	vld [tilespmem:s31+$0xFFFFFFD0]  }
0x1d: {  	v6 =	vld [tilespmem:s31+$0xFFFFFFE0]  }
0x1e: {  	v3 =	vld [tilespmem:s31+$0xFFFFFFF0]  }
0x1f: {  	v2 =	vld [tilespmem:s31+$0x0]  }
0x20: {  	v1 =	vmin.f32 v1, v4;
	v4 =	vmax.f32 v0, v4;
	v0 =	vld [tilespmem:s31+$0x10]  }
0x21: {  	v7 =	vmin.f32 v1, v5;
	v4 =	vmax.f32 v4, v5;
	v1 =	vld [tilespmem:s31+$0x20]  }
0x22: {  	s17 =	simm.s32 $0x0;
	s18 =	sadd.s32 $0x400, s31;
	v5 =	vmin.f32 v7, v6;
	v6 =	vmax.f32 v4, v6;
	v4 =	vld [tilespmem:s31+$0x30]  }
.LBB2_5:
0x23: {  	v7 =	vld [tilespmem:s18+$0xFFFFFFC0];
	s17 =	sadd.s32 $0x8, s17;
	v5 =	vmin.f32 v5, v3;
	v3 =	vmax.f32 v6, v3  }
0x24: {  	v6 =	vld [tilespmem:s18+$0xFFFFFFD0];
	p1 =	slt.u32 s17, $0x78;
	v5 =	vmin.f32 v5, v2;
	v2 =	vmax.f32 v3, v2  }
0x25: {  	v8 =	vld [tilespmem:s18+$0xFFFFFFE0];
	v5 =	vmin.f32 v5, v0;
	v0 =	vmax.f32 v2, v0  }
.Ltmp0:
0x26: {  	v3 =	vld [tilespmem:s18+$0xFFFFFFF0];
	v5 =	vmin.f32 v5, v1;
	v0 =	vmax.f32 v0, v1;
	(pc) =	sbr.rel @p1 .LBB2_5-.Ltmp0, $4  }
0x27: {  	v2 =	vld [tilespmem:s18+$0x0];
	v1 =	vmin.f32 v5, v4;
	v0 =	vmax.f32 v0, v4  }
0x28: {  	v1 =	vmin.f32 v1, v7;
	v4 =	vmax.f32 v0, v7;
	v0 =	vld [tilespmem:s18+$0x10]  }
0x29: {  	v5 =	vmin.f32 v1, v6;
	v4 =	vmax.f32 v4, v6;
	v1 =	vld [tilespmem:s18+$0x20]  }
0x2a: {  	v5 =	vmin.f32 v5, v8;
	v6 =	vmax.f32 v4, v8;
	v4 =	vld [tilespmem:s18+$0x30];
	s18 =	sadd.s32 $0x400, s18  }
0x2b: {  	s16 =	sadd.s32 $0x1, s16  }
0x2c: {  	p1 =	seq.s32 s16, $0x10  }
.Ltmp1:
0x2d: {  	v5 =	vmin.f32 v5, v3;
	v3 =	vmax.f32 v6, v3;
	(pc) =	sbr.rel @!p1 .LBB2_4-.Ltmp1, $4  }
0x2e: {  	v5 =	vmin.f32 v5, v2;
	v2 =	vmax.f32 v3, v2  }
0x2f: {  	v3 =	vmin.f32 v5, v0;
	v0 =	vmax.f32 v2, v0  }
0x30: {  	v2 =	vmin.f32 v3, v1;
	v0 =	vmax.f32 v0, v1  }
0x31: {  	s15 =	sadd.s32 $0x800, s15;
	s14 =	sadd.s32 $0x1, s14;
	v1 =	vmin.f32 v2, v4;
	v0 =	vmax.f32 v0, v4  }
0x32: {  	p1 =	seq.s32 s12, $0x20  }
.Ltmp2:
0x33: {  	_ = 	snop;
	(pc) =	sbr.rel @!p1 .LBB2_3-.Ltmp2, $2  }
0x34: {  	_ =	sdelay $0x2  }
0x35: {  	p0 =	por !p0, !p0  }
0x36: {  	[tilespmem:$0x0] =	vst v1  }
0x37: {  	[tilespmem:$0x10] =	vst v0  }
0x38: {  	[hbm4b:s5+s7] =	stream.strided.scatter [tilespmem:s2], [sflag:$0x3], $0x0, s8, s7, $0x38;
	[tilespmem:$0x10000] =	vst v63  }
0x39: {  	_ = 	snop  }
0x3a: {  	[hbm4b:s5+s2] =	stream.linear.scatter [tilespmem:s2], [sflag:$0x3], $0x10, $0x38;
	[tilespmem:$0x10000] =	vst v63  }
0x3b: {  	_ =	swait.ge [sflag:s9], $0x10  }
0x3c: {  	s11 =	sadd.s32 $0x1, s11;
	[sflag:s9] =	ssyncset.done $0x0  }
0x3d: {  	p0 =	sne.s32 s11, s6;
	[sflag:s9] =	ssyncadd.s32 $0xFFFFFFF0  }
0x3e: {  	[hbm4b:s3+s7] =	stream.strided.scatter [tilespmem:s10], [sflag:$0x3], $0x0, s8, s7, $0x38;
	[tilespmem:$0x10000] =	vst v63  }
.Ltmp3:
0x3f: {  	_ = 	snop;
	(pc) =	sbr.rel @p0 .LBB2_1-.Ltmp3, $4  }
0x40: {  	[hbm4b:s3+s2] =	stream.linear.scatter [tilespmem:s10], [sflag:$0x3], $0x10, $0x38;
	[tilespmem:$0x10000] =	vst v63  }
0x41: {  	_ =	swait.ge [sflag:s9], $0x10  }
0x42: {  	[sflag:s9] =	ssyncset.done $0x0  }
0x43: {  	[sflag:s9] =	ssyncadd.s32 $0xFFFFFFF0  }
0x44: {  	_ =	sfence.sel $0x180000  }
0x45: {  	[bflag:$0x0] =	sbarrier.arrive $0xFFFF  }
0x46: {  	p0 =	sne.s32 s1, $0x0;
	_ =	strace $0x90000047  }
0x47: {  	s0 =	sadd.s32 @!p0 $0x100000, s0;
	[bflag:$0x2] =	sbarrier.arrive $0xFFFF  }
0x48: {  	[sflag:s0] =	ssyncadd.tile.s32 @!p0 $0x1;
	_ =	shalt  }
.Lfunc_end2:
_tile_overlayer_lowered:
.L_overlay_start_2:
0x49: {  	(tag) =	ssettag $0x2  }
0x4a: {  	s0 =	rddreg [dreg:$0x0];
	s2 =	stileid.u32  }
0x4b: {  	s1 =	rddreg [dreg:$0x1];
	p0 =	sne.s32 s2, $0x0  }
0x4c: {  	s3 =	rddreg [dreg:$0x2];
	[bflag:$0x3] =	sbarrier.arrive $0xFFFF;
	s2 =	simm.s32 @!p0 $0x1C03  }
0x4d: {  	[timem:s3], [sflag:s2] =	dma.local @!p0 [hbm:s0], s1  }
0x4e: {  	s0 =	simm.s32 @!p0 $0x3  }
0x4f: {  	_ =	swait.ge @!p0 [sflag:s0], s1  }
0x50: {  	s1 =	ssub.s32 @!p0 $0x0, s1;
	[sflag:s0] =	ssyncset.done @!p0 $0x0  }
0x51: {  	[sflag:s0] =	ssyncadd.s32 @!p0 s1  }
0x52: {  	[bflag:$0x3] =	sbarrier.arrive $0xFFFF  }
0x53: {  	_ =	shalt  }

</sc_bundles>
